<compile_context>
chip_gen: v7x
topology: tpu7x:2x2x1
jax: 0.10.2.dev20260603
libtpu: 0.0.44.dev20260713+nightly
codegen_flags: <defaults>
</compile_context>

<pallas_src>
import functools

import jax
import jax.numpy as jnp
from jax import lax
from jax.experimental import pallas as pl
from jax.experimental.pallas import tpu as pltpu
from jax.experimental.pallas import tpu_sc as plsc

_B = 16384
_N_BASINS = 64
_NUM_CORES = 1
_NUM_SUBCORES = 16
_NW = _NUM_CORES * _NUM_SUBCORES
_CHUNK = _B // _NW
_L = 16


def _body(loss_hbm, idx_hbm, sigma_hbm, super_hbm, s_hbm,
          loss_v, idx_v, sigma_v, super_v, s_v, in_sem, out_sem):
    wid = lax.axis_index("s") * _NUM_CORES + lax.axis_index("c")
    base = wid * _CHUNK
    c_sigma = pltpu.async_copy(sigma_hbm, sigma_v, in_sem)
    c_loss = pltpu.async_copy(loss_hbm.at[pl.ds(base, _CHUNK)], loss_v, in_sem)
    c_idx = pltpu.async_copy(idx_hbm.at[pl.ds(base, _CHUNK)], idx_v, in_sem)
    c_sigma.wait()
    c_loss.wait()
    c_idx.wait()
    def step(i, _):
        sl = pl.ds(i * _L, _L)
        s = plsc.load_gather(sigma_v, [idx_v[sl]])
        s_v[sl] = s
        super_v[sl] = s * loss_v[sl]
        return _

    half = _CHUNK // 2
    n_half = half // _L
    lax.fori_loop(0, n_half, step, None, unroll=4)
    c_super0 = pltpu.async_copy(
        super_v.at[pl.ds(0, half)], super_hbm.at[pl.ds(base, half)], out_sem)
    c_s0 = pltpu.async_copy(
        s_v.at[pl.ds(0, half)], s_hbm.at[pl.ds(base, half)], out_sem)
    lax.fori_loop(n_half, 2 * n_half, step, None, unroll=4)
    c_super1 = pltpu.async_copy(
        super_v.at[pl.ds(half, half)], super_hbm.at[pl.ds(base + half, half)],
        out_sem)
    c_s1 = pltpu.async_copy(
        s_v.at[pl.ds(half, half)], s_hbm.at[pl.ds(base + half, half)], out_sem)
    c_super0.wait()
    c_s0.wait()
    c_super1.wait()
    c_s1.wait()


@jax.jit
def kernel(loss, basin_idx, sigma):
    mesh = plsc.VectorSubcoreMesh(core_axis_name="c", subcore_axis_name="s", num_cores=_NUM_CORES)
    f = functools.partial(
        pl.kernel,
        mesh=mesh,
        compiler_params=pltpu.CompilerParams(needs_layout_passes=False),
        out_type=[
            jax.ShapeDtypeStruct((_B,), jnp.float32),
            jax.ShapeDtypeStruct((_B,), jnp.float32),
        ],
        scratch_types=[
            pltpu.VMEM((_CHUNK,), jnp.float32),
            pltpu.VMEM((_CHUNK,), jnp.int32),
            pltpu.VMEM((_N_BASINS,), jnp.float32),
            pltpu.VMEM((_CHUNK,), jnp.float32),
            pltpu.VMEM((_CHUNK,), jnp.float32),
            pltpu.SemaphoreType.DMA,
            pltpu.SemaphoreType.DMA,
        ],
    )(_body)
    superloss, s = f(loss, basin_idx, sigma)
    return (superloss, s)

# --- scband reference (transcript-rebuilt; emitter-appended) ---
"""Pipeline reference for scband-basin-aware-super-loss-67439576481793 (READ-ONLY COPY).

The authoritative reference and input builder live on the scoring server;
editing this copy changes nothing except your own understanding.
"""

import jax, jax.numpy as jnp
import numpy as np

B = 16384
N_BASINS = 64

def setup_inputs(seed: int = 0) -> dict:
    key = jax.random.key(seed)
    k1, k2 = jax.random.split(key)
    loss = jax.random.uniform(k1, (B,), dtype=jnp.float32)
    basin_idx = jax.random.randint(k2, (B,), 0, N_BASINS, dtype=jnp.int32)
    # learned/registered buffer: sigma, initialized to ones as in the torch module
    sigma = jnp.ones((N_BASINS,), dtype=jnp.float32)
    return {"loss": loss, "basin_idx": basin_idx, "sigma": sigma}

def reference(loss, basin_idx, sigma):
    # torch.index_select(self.sigma, 0, basin_idx) -> jnp.take(sigma, basin_idx, axis=0)
    s = jnp.take(sigma, basin_idx, axis=0)
    superloss = s * loss
    return (superloss, s)

if __name__ == "__main__":
    import jax
    _d = setup_inputs()
    print(jax.jit(kernel)(*tuple(_d.values())))

</pallas_src>

<mosaic_0001>
#map = affine_map<(d0, d1) -> (0)>
module attributes {stable_mosaic.version = 14 : i64} {
  func.func @_body(%arg0: i32, %arg1: i32, %arg2: memref<16384xf32, #tpu.memory_space<hbm>>, %arg3: memref<16384xi32, #tpu.memory_space<hbm>>, %arg4: memref<64xf32, #tpu.memory_space<hbm>>, %arg5: memref<16384xf32, #tpu.memory_space<hbm>>, %arg6: memref<16384xf32, #tpu.memory_space<hbm>>, %arg7: memref<1024xf32, #tpu.memory_space<vmem>>, %arg8: memref<1024xi32, #tpu.memory_space<vmem>>, %arg9: memref<64xf32, #tpu.memory_space<vmem>>, %arg10: memref<1024xf32, #tpu.memory_space<vmem>>, %arg11: memref<1024xf32, #tpu.memory_space<vmem>>, %arg12: memref<!tpu.dma_semaphore, #tpu.memory_space<semaphore_mem>>, %arg13: memref<!tpu.dma_semaphore, #tpu.memory_space<semaphore_mem>>) attributes {dimension_semantics = [#tpu.dimension_semantics<core_parallel>, #tpu.dimension_semantics<subcore_parallel>], iteration_bounds = array<i64: 1, 16>, scalar_prefetch = 0 : i64, scratch_operands = 7 : i64, tpu.core_type = #tpu.core_type<sc_vector_subcore>, window_params = [{transform_indices = #map}, {transform_indices = #map}, {transform_indices = #map}, {transform_indices = #map}, {transform_indices = #map}]} {
    %mul3A = arith.constant 1 : i32
    %mul3A_0 = arith.muli %arg1, %mul3A : i32
    %add3A = arith.addi %mul3A_0, %arg0 : i32
    %mul3A_1 = arith.constant 1024 : i32
    %mul3A_2 = arith.muli %add3A, %mul3A_1 : i32
    tpu.enqueue_dma source(%arg4 : memref<64xf32, #tpu.memory_space<hbm>>) target(%arg9 : memref<64xf32, #tpu.memory_space<vmem>>) target_semaphore(%arg12 : memref<!tpu.dma_semaphore, #tpu.memory_space<semaphore_mem>>)
    %dma_start3A = tpu.memref_slice %arg2[%mul3A_2] : memref<16384xf32, #tpu.memory_space<hbm>> -> memref<1024xf32, #tpu.memory_space<hbm>>
    %dma_start3A_3 = tpu.memref_slice %arg2[%mul3A_2] : memref<16384xf32, #tpu.memory_space<hbm>> -> memref<1024xf32, #tpu.memory_space<hbm>>
    tpu.enqueue_dma source(%dma_start3A_3 : memref<1024xf32, #tpu.memory_space<hbm>>) target(%arg7 : memref<1024xf32, #tpu.memory_space<vmem>>) target_semaphore(%arg12 : memref<!tpu.dma_semaphore, #tpu.memory_space<semaphore_mem>>)
    %dma_start3A_4 = tpu.memref_slice %arg3[%mul3A_2] : memref<16384xi32, #tpu.memory_space<hbm>> -> memref<1024xi32, #tpu.memory_space<hbm>>
    %dma_start3A_5 = tpu.memref_slice %arg3[%mul3A_2] : memref<16384xi32, #tpu.memory_space<hbm>> -> memref<1024xi32, #tpu.memory_space<hbm>>
    tpu.enqueue_dma source(%dma_start3A_5 : memref<1024xi32, #tpu.memory_space<hbm>>) target(%arg8 : memref<1024xi32, #tpu.memory_space<vmem>>) target_semaphore(%arg12 : memref<!tpu.dma_semaphore, #tpu.memory_space<semaphore_mem>>)
    tpu.wait_dma2 semaphore(%arg12 : memref<!tpu.dma_semaphore, #tpu.memory_space<semaphore_mem>>) src(%arg4 : memref<64xf32, #tpu.memory_space<hbm>>) dst(%arg9 : memref<64xf32, #tpu.memory_space<vmem>>)
    %dma_wait3A = tpu.memref_slice %arg2[%mul3A_2] : memref<16384xf32, #tpu.memory_space<hbm>> -> memref<1024xf32, #tpu.memory_space<hbm>>
    %dma_wait3A_6 = tpu.memref_slice %arg2[%mul3A_2] : memref<16384xf32, #tpu.memory_space<hbm>> -> memref<1024xf32, #tpu.memory_space<hbm>>
    tpu.wait_dma2 semaphore(%arg12 : memref<!tpu.dma_semaphore, #tpu.memory_space<semaphore_mem>>) src(%dma_wait3A_6 : memref<1024xf32, #tpu.memory_space<hbm>>) dst(%arg7 : memref<1024xf32, #tpu.memory_space<vmem>>)
    %dma_wait3A_7 = tpu.memref_slice %arg3[%mul3A_2] : memref<16384xi32, #tpu.memory_space<hbm>> -> memref<1024xi32, #tpu.memory_space<hbm>>
    %dma_wait3A_8 = tpu.memref_slice %arg3[%mul3A_2] : memref<16384xi32, #tpu.memory_space<hbm>> -> memref<1024xi32, #tpu.memory_space<hbm>>
    tpu.wait_dma2 semaphore(%arg12 : memref<!tpu.dma_semaphore, #tpu.memory_space<semaphore_mem>>) src(%dma_wait3A_8 : memref<1024xi32, #tpu.memory_space<hbm>>) dst(%arg8 : memref<1024xi32, #tpu.memory_space<vmem>>)
    %scan3A = arith.constant 0 : i32
    %scan3A_9 = arith.constant 32 : i32
    %scan3A_10 = arith.addi %scan3A, %scan3A_9 : i32
    %scan3A_11 = arith.constant 4 : i32
    scf.for %scan3A_70 = %scan3A to %scan3A_10 step %scan3A_11  : i32 {
      %mul3A_71 = arith.constant 16 : i32
      %mul3A_72 = arith.muli %scan3A_70, %mul3A_71 : i32
      %get3A = arith.index_cast %mul3A_72 : i32 to index
      %get3A_73 = tpu.vector_load %arg8[%get3A] {strides = array<i32>} : memref<1024xi32, #tpu.memory_space<vmem>>, vector<16xi32>,
      %gather3A = tpu.vector_load_idx %arg9[%get3A_73] : memref<64xf32, #tpu.memory_space<vmem>>[vector<16xi32>], vector<16xf32>,
      %swap3A = arith.index_cast %mul3A_72 : i32 to index
      %swap3A_74 = tpu.vector_load %arg11[%swap3A] {strides = array<i32>} : memref<1024xf32, #tpu.memory_space<vmem>>, vector<16xf32>,
      tpu.vector_store %arg11[%swap3A], %gather3A {strides = array<i32>} : memref<1024xf32, #tpu.memory_space<vmem>>, vector<16xf32>,
      %get3A_75 = arith.index_cast %mul3A_72 : i32 to index
      %get3A_76 = tpu.vector_load %arg7[%get3A_75] {strides = array<i32>} : memref<1024xf32, #tpu.memory_space<vmem>>, vector<16xf32>,
      %mul3A_77 = arith.mulf %gather3A, %get3A_76 : vector<16xf32>
      %swap3A_78 = arith.index_cast %mul3A_72 : i32 to index
      %swap3A_79 = tpu.vector_load %arg10[%swap3A_78] {strides = array<i32>} : memref<1024xf32, #tpu.memory_space<vmem>>, vector<16xf32>,
      tpu.vector_store %arg10[%swap3A_78], %mul3A_77 {strides = array<i32>} : memref<1024xf32, #tpu.memory_space<vmem>>, vector<16xf32>,
      %scan3A_80 = arith.constant 1 : i32
      %scan3A_81 = arith.addi %scan3A_70, %scan3A_80 : i32
      %mul3A_82 = arith.constant 16 : i32
      %mul3A_83 = arith.muli %scan3A_81, %mul3A_82 : i32
      %get3A_84 = arith.index_cast %mul3A_83 : i32 to index
      %get3A_85 = tpu.vector_load %arg8[%get3A_84] {strides = array<i32>} : memref<1024xi32, #tpu.memory_space<vmem>>, vector<16xi32>,
      %gather3A_86 = tpu.vector_load_idx %arg9[%get3A_85] : memref<64xf32, #tpu.memory_space<vmem>>[vector<16xi32>], vector<16xf32>,
      %swap3A_87 = arith.index_cast %mul3A_83 : i32 to index
      %swap3A_88 = tpu.vector_load %arg11[%swap3A_87] {strides = array<i32>} : memref<1024xf32, #tpu.memory_space<vmem>>, vector<16xf32>,
      tpu.vector_store %arg11[%swap3A_87], %gather3A_86 {strides = array<i32>} : memref<1024xf32, #tpu.memory_space<vmem>>, vector<16xf32>,
      %get3A_89 = arith.index_cast %mul3A_83 : i32 to index
      %get3A_90 = tpu.vector_load %arg7[%get3A_89] {strides = array<i32>} : memref<1024xf32, #tpu.memory_space<vmem>>, vector<16xf32>,
      %mul3A_91 = arith.mulf %gather3A_86, %get3A_90 : vector<16xf32>
      %swap3A_92 = arith.index_cast %mul3A_83 : i32 to index
      %swap3A_93 = tpu.vector_load %arg10[%swap3A_92] {strides = array<i32>} : memref<1024xf32, #tpu.memory_space<vmem>>, vector<16xf32>,
      tpu.vector_store %arg10[%swap3A_92], %mul3A_91 {strides = array<i32>} : memref<1024xf32, #tpu.memory_space<vmem>>, vector<16xf32>,
      %scan3A_94 = arith.constant 2 : i32
      %scan3A_95 = arith.addi %scan3A_70, %scan3A_94 : i32
      %mul3A_96 = arith.constant 16 : i32
      %mul3A_97 = arith.muli %scan3A_95, %mul3A_96 : i32
      %get3A_98 = arith.index_cast %mul3A_97 : i32 to index
      %get3A_99 = tpu.vector_load %arg8[%get3A_98] {strides = array<i32>} : memref<1024xi32, #tpu.memory_space<vmem>>, vector<16xi32>,
      %gather3A_100 = tpu.vector_load_idx %arg9[%get3A_99] : memref<64xf32, #tpu.memory_space<vmem>>[vector<16xi32>], vector<16xf32>,
      %swap3A_101 = arith.index_cast %mul3A_97 : i32 to index
      %swap3A_102 = tpu.vector_load %arg11[%swap3A_101] {strides = array<i32>} : memref<1024xf32, #tpu.memory_space<vmem>>, vector<16xf32>,
      tpu.vector_store %arg11[%swap3A_101], %gather3A_100 {strides = array<i32>} : memref<1024xf32, #tpu.memory_space<vmem>>, vector<16xf32>,
      %get3A_103 = arith.index_cast %mul3A_97 : i32 to index
      %get3A_104 = tpu.vector_load %arg7[%get3A_103] {strides = array<i32>} : memref<1024xf32, #tpu.memory_space<vmem>>, vector<16xf32>,
      %mul3A_105 = arith.mulf %gather3A_100, %get3A_104 : vector<16xf32>
      %swap3A_106 = arith.index_cast %mul3A_97 : i32 to index
      %swap3A_107 = tpu.vector_load %arg10[%swap3A_106] {strides = array<i32>} : memref<1024xf32, #tpu.memory_space<vmem>>, vector<16xf32>,
      tpu.vector_store %arg10[%swap3A_106], %mul3A_105 {strides = array<i32>} : memref<1024xf32, #tpu.memory_space<vmem>>, vector<16xf32>,
      %scan3A_108 = arith.constant 3 : i32
      %scan3A_109 = arith.addi %scan3A_70, %scan3A_108 : i32
      %mul3A_110 = arith.constant 16 : i32
      %mul3A_111 = arith.muli %scan3A_109, %mul3A_110 : i32
      %get3A_112 = arith.index_cast %mul3A_111 : i32 to index
      %get3A_113 = tpu.vector_load %arg8[%get3A_112] {strides = array<i32>} : memref<1024xi32, #tpu.memory_space<vmem>>, vector<16xi32>,
      %gather3A_114 = tpu.vector_load_idx %arg9[%get3A_113] : memref<64xf32, #tpu.memory_space<vmem>>[vector<16xi32>], vector<16xf32>,
      %swap3A_115 = arith.index_cast %mul3A_111 : i32 to index
      %swap3A_116 = tpu.vector_load %arg11[%swap3A_115] {strides = array<i32>} : memref<1024xf32, #tpu.memory_space<vmem>>, vector<16xf32>,
      tpu.vector_store %arg11[%swap3A_115], %gather3A_114 {strides = array<i32>} : memref<1024xf32, #tpu.memory_space<vmem>>, vector<16xf32>,
      %get3A_117 = arith.index_cast %mul3A_111 : i32 to index
      %get3A_118 = tpu.vector_load %arg7[%get3A_117] {strides = array<i32>} : memref<1024xf32, #tpu.memory_space<vmem>>, vector<16xf32>,
      %mul3A_119 = arith.mulf %gather3A_114, %get3A_118 : vector<16xf32>
      %swap3A_120 = arith.index_cast %mul3A_111 : i32 to index
      %swap3A_121 = tpu.vector_load %arg10[%swap3A_120] {strides = array<i32>} : memref<1024xf32, #tpu.memory_space<vmem>>, vector<16xf32>,
      tpu.vector_store %arg10[%swap3A_120], %mul3A_119 {strides = array<i32>} : memref<1024xf32, #tpu.memory_space<vmem>>, vector<16xf32>,
    }
    %scan3A_12 = arith.constant 32 : i32
    %dma_start3A_13 = arith.constant 0 : i32
    %dma_start3A_14 = tpu.memref_slice %arg10[%dma_start3A_13] : memref<1024xf32, #tpu.memory_space<vmem>> -> memref<512xf32, #tpu.memory_space<vmem>>
    %dma_start3A_15 = tpu.memref_slice %arg5[%mul3A_2] : memref<16384xf32, #tpu.memory_space<hbm>> -> memref<512xf32, #tpu.memory_space<hbm>>
    %dma_start3A_16 = tpu.memref_slice %arg5[%mul3A_2] : memref<16384xf32, #tpu.memory_space<hbm>> -> memref<512xf32, #tpu.memory_space<hbm>>
    %dma_start3A_17 = arith.constant 0 : i32
    %dma_start3A_18 = tpu.memref_slice %arg10[%dma_start3A_17] : memref<1024xf32, #tpu.memory_space<vmem>> -> memref<512xf32, #tpu.memory_space<vmem>>
    tpu.enqueue_dma source(%dma_start3A_18 : memref<512xf32, #tpu.memory_space<vmem>>) target(%dma_start3A_16 : memref<512xf32, #tpu.memory_space<hbm>>) target_semaphore(%arg13 : memref<!tpu.dma_semaphore, #tpu.memory_space<semaphore_mem>>)
    %dma_start3A_19 = arith.constant 0 : i32
    %dma_start3A_20 = tpu.memref_slice %arg11[%dma_start3A_19] : memref<1024xf32, #tpu.memory_space<vmem>> -> memref<512xf32, #tpu.memory_space<vmem>>
    %dma_start3A_21 = tpu.memref_slice %arg6[%mul3A_2] : memref<16384xf32, #tpu.memory_space<hbm>> -> memref<512xf32, #tpu.memory_space<hbm>>
    %dma_start3A_22 = tpu.memref_slice %arg6[%mul3A_2] : memref<16384xf32, #tpu.memory_space<hbm>> -> memref<512xf32, #tpu.memory_space<hbm>>
    %dma_start3A_23 = arith.constant 0 : i32
    %dma_start3A_24 = tpu.memref_slice %arg11[%dma_start3A_23] : memref<1024xf32, #tpu.memory_space<vmem>> -> memref<512xf32, #tpu.memory_space<vmem>>
    tpu.enqueue_dma source(%dma_start3A_24 : memref<512xf32, #tpu.memory_space<vmem>>) target(%dma_start3A_22 : memref<512xf32, #tpu.memory_space<hbm>>) target_semaphore(%arg13 : memref<!tpu.dma_semaphore, #tpu.memory_space<semaphore_mem>>)
    %scan3A_25 = arith.constant 32 : i32
    %scan3A_26 = arith.constant 32 : i32
    %scan3A_27 = arith.addi %scan3A_25, %scan3A_26 : i32
    %scan3A_28 = arith.constant 4 : i32
    scf.for %scan3A_70 = %scan3A_25 to %scan3A_27 step %scan3A_28  : i32 {
      %mul3A_71 = arith.constant 16 : i32
      %mul3A_72 = arith.muli %scan3A_70, %mul3A_71 : i32
      %get3A = arith.index_cast %mul3A_72 : i32 to index
      %get3A_73 = tpu.vector_load %arg8[%get3A] {strides = array<i32>} : memref<1024xi32, #tpu.memory_space<vmem>>, vector<16xi32>,
      %gather3A = tpu.vector_load_idx %arg9[%get3A_73] : memref<64xf32, #tpu.memory_space<vmem>>[vector<16xi32>], vector<16xf32>,
      %swap3A = arith.index_cast %mul3A_72 : i32 to index
      %swap3A_74 = tpu.vector_load %arg11[%swap3A] {strides = array<i32>} : memref<1024xf32, #tpu.memory_space<vmem>>, vector<16xf32>,
      tpu.vector_store %arg11[%swap3A], %gather3A {strides = array<i32>} : memref<1024xf32, #tpu.memory_space<vmem>>, vector<16xf32>,
      %get3A_75 = arith.index_cast %mul3A_72 : i32 to index
      %get3A_76 = tpu.vector_load %arg7[%get3A_75] {strides = array<i32>} : memref<1024xf32, #tpu.memory_space<vmem>>, vector<16xf32>,
      %mul3A_77 = arith.mulf %gather3A, %get3A_76 : vector<16xf32>
      %swap3A_78 = arith.index_cast %mul3A_72 : i32 to index
      %swap3A_79 = tpu.vector_load %arg10[%swap3A_78] {strides = array<i32>} : memref<1024xf32, #tpu.memory_space<vmem>>, vector<16xf32>,
      tpu.vector_store %arg10[%swap3A_78], %mul3A_77 {strides = array<i32>} : memref<1024xf32, #tpu.memory_space<vmem>>, vector<16xf32>,
      %scan3A_80 = arith.constant 1 : i32
      %scan3A_81 = arith.addi %scan3A_70, %scan3A_80 : i32
      %mul3A_82 = arith.constant 16 : i32
      %mul3A_83 = arith.muli %scan3A_81, %mul3A_82 : i32
      %get3A_84 = arith.index_cast %mul3A_83 : i32 to index
      %get3A_85 = tpu.vector_load %arg8[%get3A_84] {strides = array<i32>} : memref<1024xi32, #tpu.memory_space<vmem>>, vector<16xi32>,
      %gather3A_86 = tpu.vector_load_idx %arg9[%get3A_85] : memref<64xf32, #tpu.memory_space<vmem>>[vector<16xi32>], vector<16xf32>,
      %swap3A_87 = arith.index_cast %mul3A_83 : i32 to index
      %swap3A_88 = tpu.vector_load %arg11[%swap3A_87] {strides = array<i32>} : memref<1024xf32, #tpu.memory_space<vmem>>, vector<16xf32>,
      tpu.vector_store %arg11[%swap3A_87], %gather3A_86 {strides = array<i32>} : memref<1024xf32, #tpu.memory_space<vmem>>, vector<16xf32>,
      %get3A_89 = arith.index_cast %mul3A_83 : i32 to index
      %get3A_90 = tpu.vector_load %arg7[%get3A_89] {strides = array<i32>} : memref<1024xf32, #tpu.memory_space<vmem>>, vector<16xf32>,
      %mul3A_91 = arith.mulf %gather3A_86, %get3A_90 : vector<16xf32>
      %swap3A_92 = arith.index_cast %mul3A_83 : i32 to index
      %swap3A_93 = tpu.vector_load %arg10[%swap3A_92] {strides = array<i32>} : memref<1024xf32, #tpu.memory_space<vmem>>, vector<16xf32>,
      tpu.vector_store %arg10[%swap3A_92], %mul3A_91 {strides = array<i32>} : memref<1024xf32, #tpu.memory_space<vmem>>, vector<16xf32>,
      %scan3A_94 = arith.constant 2 : i32
      %scan3A_95 = arith.addi %scan3A_70, %scan3A_94 : i32
      %mul3A_96 = arith.constant 16 : i32
      %mul3A_97 = arith.muli %scan3A_95, %mul3A_96 : i32
      %get3A_98 = arith.index_cast %mul3A_97 : i32 to index
      %get3A_99 = tpu.vector_load %arg8[%get3A_98] {strides = array<i32>} : memref<1024xi32, #tpu.memory_space<vmem>>, vector<16xi32>,
      %gather3A_100 = tpu.vector_load_idx %arg9[%get3A_99] : memref<64xf32, #tpu.memory_space<vmem>>[vector<16xi32>], vector<16xf32>,
      %swap3A_101 = arith.index_cast %mul3A_97 : i32 to index
      %swap3A_102 = tpu.vector_load %arg11[%swap3A_101] {strides = array<i32>} : memref<1024xf32, #tpu.memory_space<vmem>>, vector<16xf32>,
      tpu.vector_store %arg11[%swap3A_101], %gather3A_100 {strides = array<i32>} : memref<1024xf32, #tpu.memory_space<vmem>>, vector<16xf32>,
      %get3A_103 = arith.index_cast %mul3A_97 : i32 to index
      %get3A_104 = tpu.vector_load %arg7[%get3A_103] {strides = array<i32>} : memref<1024xf32, #tpu.memory_space<vmem>>, vector<16xf32>,
      %mul3A_105 = arith.mulf %gather3A_100, %get3A_104 : vector<16xf32>
      %swap3A_106 = arith.index_cast %mul3A_97 : i32 to index
      %swap3A_107 = tpu.vector_load %arg10[%swap3A_106] {strides = array<i32>} : memref<1024xf32, #tpu.memory_space<vmem>>, vector<16xf32>,
      tpu.vector_store %arg10[%swap3A_106], %mul3A_105 {strides = array<i32>} : memref<1024xf32, #tpu.memory_space<vmem>>, vector<16xf32>,
      %scan3A_108 = arith.constant 3 : i32
      %scan3A_109 = arith.addi %scan3A_70, %scan3A_108 : i32
      %mul3A_110 = arith.constant 16 : i32
      %mul3A_111 = arith.muli %scan3A_109, %mul3A_110 : i32
      %get3A_112 = arith.index_cast %mul3A_111 : i32 to index
      %get3A_113 = tpu.vector_load %arg8[%get3A_112] {strides = array<i32>} : memref<1024xi32, #tpu.memory_space<vmem>>, vector<16xi32>,
      %gather3A_114 = tpu.vector_load_idx %arg9[%get3A_113] : memref<64xf32, #tpu.memory_space<vmem>>[vector<16xi32>], vector<16xf32>,
      %swap3A_115 = arith.index_cast %mul3A_111 : i32 to index
      %swap3A_116 = tpu.vector_load %arg11[%swap3A_115] {strides = array<i32>} : memref<1024xf32, #tpu.memory_space<vmem>>, vector<16xf32>,
      tpu.vector_store %arg11[%swap3A_115], %gather3A_114 {strides = array<i32>} : memref<1024xf32, #tpu.memory_space<vmem>>, vector<16xf32>,
      %get3A_117 = arith.index_cast %mul3A_111 : i32 to index
      %get3A_118 = tpu.vector_load %arg7[%get3A_117] {strides = array<i32>} : memref<1024xf32, #tpu.memory_space<vmem>>, vector<16xf32>,
      %mul3A_119 = arith.mulf %gather3A_114, %get3A_118 : vector<16xf32>
      %swap3A_120 = arith.index_cast %mul3A_111 : i32 to index
      %swap3A_121 = tpu.vector_load %arg10[%swap3A_120] {strides = array<i32>} : memref<1024xf32, #tpu.memory_space<vmem>>, vector<16xf32>,
      tpu.vector_store %arg10[%swap3A_120], %mul3A_119 {strides = array<i32>} : memref<1024xf32, #tpu.memory_space<vmem>>, vector<16xf32>,
    }
    %scan3A_29 = arith.constant 32 : i32
    %add3A_30 = arith.constant 512 : i32
    %add3A_31 = arith.addi %mul3A_2, %add3A_30 : i32
    %dma_start3A_32 = arith.constant 512 : i32
    %dma_start3A_33 = tpu.memref_slice %arg10[%dma_start3A_32] : memref<1024xf32, #tpu.memory_space<vmem>> -> memref<512xf32, #tpu.memory_space<vmem>>
    %dma_start3A_34 = tpu.memref_slice %arg5[%add3A_31] : memref<16384xf32, #tpu.memory_space<hbm>> -> memref<512xf32, #tpu.memory_space<hbm>>
    %dma_start3A_35 = tpu.memref_slice %arg5[%add3A_31] : memref<16384xf32, #tpu.memory_space<hbm>> -> memref<512xf32, #tpu.memory_space<hbm>>
    %dma_start3A_36 = arith.constant 512 : i32
    %dma_start3A_37 = tpu.memref_slice %arg10[%dma_start3A_36] : memref<1024xf32, #tpu.memory_space<vmem>> -> memref<512xf32, #tpu.memory_space<vmem>>
    tpu.enqueue_dma source(%dma_start3A_37 : memref<512xf32, #tpu.memory_space<vmem>>) target(%dma_start3A_35 : memref<512xf32, #tpu.memory_space<hbm>>) target_semaphore(%arg13 : memref<!tpu.dma_semaphore, #tpu.memory_space<semaphore_mem>>)
    %add3A_38 = arith.constant 512 : i32
    %add3A_39 = arith.addi %mul3A_2, %add3A_38 : i32
    %dma_start3A_40 = arith.constant 512 : i32
    %dma_start3A_41 = tpu.memref_slice %arg11[%dma_start3A_40] : memref<1024xf32, #tpu.memory_space<vmem>> -> memref<512xf32, #tpu.memory_space<vmem>>
    %dma_start3A_42 = tpu.memref_slice %arg6[%add3A_39] : memref<16384xf32, #tpu.memory_space<hbm>> -> memref<512xf32, #tpu.memory_space<hbm>>
    %dma_start3A_43 = tpu.memref_slice %arg6[%add3A_39] : memref<16384xf32, #tpu.memory_space<hbm>> -> memref<512xf32, #tpu.memory_space<hbm>>
    %dma_start3A_44 = arith.constant 512 : i32
    %dma_start3A_45 = tpu.memref_slice %arg11[%dma_start3A_44] : memref<1024xf32, #tpu.memory_space<vmem>> -> memref<512xf32, #tpu.memory_space<vmem>>
    tpu.enqueue_dma source(%dma_start3A_45 : memref<512xf32, #tpu.memory_space<vmem>>) target(%dma_start3A_43 : memref<512xf32, #tpu.memory_space<hbm>>) target_semaphore(%arg13 : memref<!tpu.dma_semaphore, #tpu.memory_space<semaphore_mem>>)
    %dma_wait3A_46 = arith.constant 0 : i32
    %dma_wait3A_47 = tpu.memref_slice %arg10[%dma_wait3A_46] : memref<1024xf32, #tpu.memory_space<vmem>> -> memref<512xf32, #tpu.memory_space<vmem>>
    %dma_wait3A_48 = tpu.memref_slice %arg5[%mul3A_2] : memref<16384xf32, #tpu.memory_space<hbm>> -> memref<512xf32, #tpu.memory_space<hbm>>
    %dma_wait3A_49 = tpu.memref_slice %arg5[%mul3A_2] : memref<16384xf32, #tpu.memory_space<hbm>> -> memref<512xf32, #tpu.memory_space<hbm>>
    %dma_wait3A_50 = arith.constant 0 : i32
    %dma_wait3A_51 = tpu.memref_slice %arg10[%dma_wait3A_50] : memref<1024xf32, #tpu.memory_space<vmem>> -> memref<512xf32, #tpu.memory_space<vmem>>
    tpu.wait_dma2 semaphore(%arg13 : memref<!tpu.dma_semaphore, #tpu.memory_space<semaphore_mem>>) src(%dma_wait3A_51 : memref<512xf32, #tpu.memory_space<vmem>>) dst(%dma_wait3A_49 : memref<512xf32, #tpu.memory_space<hbm>>)
    %dma_wait3A_52 = arith.constant 0 : i32
    %dma_wait3A_53 = tpu.memref_slice %arg11[%dma_wait3A_52] : memref<1024xf32, #tpu.memory_space<vmem>> -> memref<512xf32, #tpu.memory_space<vmem>>
    %dma_wait3A_54 = tpu.memref_slice %arg6[%mul3A_2] : memref<16384xf32, #tpu.memory_space<hbm>> -> memref<512xf32, #tpu.memory_space<hbm>>
    %dma_wait3A_55 = tpu.memref_slice %arg6[%mul3A_2] : memref<16384xf32, #tpu.memory_space<hbm>> -> memref<512xf32, #tpu.memory_space<hbm>>
    %dma_wait3A_56 = arith.constant 0 : i32
    %dma_wait3A_57 = tpu.memref_slice %arg11[%dma_wait3A_56] : memref<1024xf32, #tpu.memory_space<vmem>> -> memref<512xf32, #tpu.memory_space<vmem>>
    tpu.wait_dma2 semaphore(%arg13 : memref<!tpu.dma_semaphore, #tpu.memory_space<semaphore_mem>>) src(%dma_wait3A_57 : memref<512xf32, #tpu.memory_space<vmem>>) dst(%dma_wait3A_55 : memref<512xf32, #tpu.memory_space<hbm>>)
    %dma_wait3A_58 = arith.constant 512 : i32
    %dma_wait3A_59 = tpu.memref_slice %arg10[%dma_wait3A_58] : memref<1024xf32, #tpu.memory_space<vmem>> -> memref<512xf32, #tpu.memory_space<vmem>>
    %dma_wait3A_60 = tpu.memref_slice %arg5[%add3A_31] : memref<16384xf32, #tpu.memory_space<hbm>> -> memref<512xf32, #tpu.memory_space<hbm>>
    %dma_wait3A_61 = tpu.memref_slice %arg5[%add3A_31] : memref<16384xf32, #tpu.memory_space<hbm>> -> memref<512xf32, #tpu.memory_space<hbm>>
    %dma_wait3A_62 = arith.constant 512 : i32
    %dma_wait3A_63 = tpu.memref_slice %arg10[%dma_wait3A_62] : memref<1024xf32, #tpu.memory_space<vmem>> -> memref<512xf32, #tpu.memory_space<vmem>>
    tpu.wait_dma2 semaphore(%arg13 : memref<!tpu.dma_semaphore, #tpu.memory_space<semaphore_mem>>) src(%dma_wait3A_63 : memref<512xf32, #tpu.memory_space<vmem>>) dst(%dma_wait3A_61 : memref<512xf32, #tpu.memory_space<hbm>>)
    %dma_wait3A_64 = arith.constant 512 : i32
    %dma_wait3A_65 = tpu.memref_slice %arg11[%dma_wait3A_64] : memref<1024xf32, #tpu.memory_space<vmem>> -> memref<512xf32, #tpu.memory_space<vmem>>
    %dma_wait3A_66 = tpu.memref_slice %arg6[%add3A_39] : memref<16384xf32, #tpu.memory_space<hbm>> -> memref<512xf32, #tpu.memory_space<hbm>>
    %dma_wait3A_67 = tpu.memref_slice %arg6[%add3A_39] : memref<16384xf32, #tpu.memory_space<hbm>> -> memref<512xf32, #tpu.memory_space<hbm>>
    %dma_wait3A_68 = arith.constant 512 : i32
    %dma_wait3A_69 = tpu.memref_slice %arg11[%dma_wait3A_68] : memref<1024xf32, #tpu.memory_space<vmem>> -> memref<512xf32, #tpu.memory_space<vmem>>
    tpu.wait_dma2 semaphore(%arg13 : memref<!tpu.dma_semaphore, #tpu.memory_space<semaphore_mem>>) src(%dma_wait3A_69 : memref<512xf32, #tpu.memory_space<vmem>>) dst(%dma_wait3A_67 : memref<512xf32, #tpu.memory_space<hbm>>)
    return
  }
}

</mosaic_0001>

<sc_bundles>
// kernel: kernel.3.cloned.1.call-start
scs
__scs_entry_jumppad:
0x0: {  	(pc) =	sbr.rel $0x88, $3  }
0x1: {  	(tag) =	ssettag $0x0;
	lr =	simm.s32 $0x1  }
0x2: {  	[smem:$0x3F9E] =	sst lr;
	_ =	strace $0xD0000000  }
0x3: {  	_ = 	snop  }
0x4: {  	_ = 	snop  }
0x5: {  	_ = 	snop  }
0x6: {  	_ = 	snop  }
0x7: {  	_ = 	snop  }
__scs_overlays_trampoline_lowered:
0x8: {  	[smem:$0x3FAD] =	sst s0  }
0x9: {  	[smem:$0x3FAE] =	sst s1  }
0xa: {  	[smem:$0x3FAF] =	sst s2  }
0xb: {  	[smem:$0x3FB0] =	sst s3  }
0xc: {  	[smem:$0x3FB1] =	sst s4  }
0xd: {  	[smem:$0x3FB2] =	sst s5  }
0xe: {  	[smem:$0x3FB3] =	sst s6  }
0xf: {  	[smem:$0x3FB4] =	sst s7  }
0x10: {  	[smem:$0x3FB5] =	sst s8  }
0x11: {  	[smem:$0x3FB6] =	sst s9;
	s0 =	simm.s32 @!p0 $0x0  }
0x12: {  	s1 =	sld [smem:$0x3F9C];
	s0 =	simm.s32 @p0 $0x1  }
0x13: {  	[smem:$0x3FB7] =	sst s0;
	s0 =	simm.s32 @!p1 $0x0  }
0x14: {  	s2 =	sld [smem:$0x3F9B];
	s0 =	simm.s32 @p1 $0x1  }
0x15: {  	[smem:$0x3FB8] =	sst s0;
	s0 =	simm.s32 @!p2 $0x0  }
0x16: {  	s3 =	sld [smem:$0x3FDB];
	s0 =	simm.s32 @p2 $0x1  }
0x17: {  	s4 =	simm.s32 $0x1BF5;
	[smem:$0x3FBA] =	sst s0  }
0x18: {  	s0 =	sld [smem:$0x3F9D];
	_ =	swait.ge [sflag:s4], $0x0  }
0x19: {  	s7 =	sld [smem:$0x3F9E]  }
0x1a: {  	s8 =	sadd.s32 $0xFFFFE003, lr  }
0x1b: {  	s9 =	sadd.s32 $0xFFFFFEF7, lr;
	s5 =	simm.s32 $0xFFFFFFFF;
	p2 =	slt.u32 s8, $0xFFFFF086  }
0x1c: {  	p1 =	slt.u32 s9, $0xF7A;
	s5 =	simm.s32 @!p2 $0x0  }
0x1d: {  	s5 =	simm.s32 @p1 $0x1;
	p0 =	seq.s32 s7, s2  }
0x1e: {  	s7 =	smul.u32 @!p0 $0xF7A, s2;
	p2 =	seq.s32 @!p0 s5, $0x0  }
0x1f: {  	s9 =	smul.u32 $0xF7A, s1;
	s8 =	simm.s32 @!p0 $0x1BF5;
	p2 =	por !p2, p0  }
0x20: {  	[sflag:s8] =	ssyncset.s32 @!p0 $0xFFFFF086;
	s6 =	sadd.s32 @!p0 s3, s7;
	s7 =	simm.s32 @!p0 $0x108  }
0x21: {  	s3 =	sadd.s32 s3, s9;
	s6 =	sadd.s32 @!p0 $0x88, s6;
	s7 =	simm.s32 @p2 $0x1082  }
0x22: {  	[simem:s7], [sflag:s8] =	dma.local @!p0 [hbm:s6], $0xF7A  }
0x23: {  	s9 =	sor.u32 $0xD0000000, s2;
	s6 =	simm.s32 $0x108;
	_ =	swait.ge @!p0 [sflag:s8], $0x0  }
0x24: {  	s3 =	sadd.s32 $0x88, s3;
	s6 =	simm.s32 @!p1 $0x1082;
	[sflag:s4] =	ssyncset.s32 $0xFFFFF086  }
0x25: {  	[simem:s6], [sflag:s4] =	dma.local [hbm:s3], $0xF7A  }
0x26: {  	[smem:$0x3F9E] =	sst s1;
	(tag) =	ssettag s2;
	_ =	strace s9  }
0x27: {  	s1 =	sld [smem:$0x3FAE]  }
0x28: {  	s2 =	sld [smem:$0x3FAF]  }
0x29: {  	s4 =	sld [smem:$0x3FB1]  }
0x2a: {  	p0 =	seq.s32 s5, $0x0;
	s5 =	sld [smem:$0x3FB2]  }
0x2b: {  	s6 =	sld [smem:$0x3FB3]  }
0x2c: {  	s7 =	sld [smem:$0x3FB4]  }
0x2d: {  	s3 =	simm.s32 $0x108;
	s8 =	sld [smem:$0x3FB5]  }
0x2e: {  	s3 =	simm.s32 @!p0 $0x1082;
	s9 =	sld [smem:$0x3FB6]  }
0x2f: {  	lr =	sadd.s32 s0, s3;
	s0 =	sld [smem:$0x3FAD]  }
0x30: {  	s3 =	sld [smem:$0x3FB0]  }
0x31: {  	[smem:$0x3FB9] =	sst s10  }
0x32: {  	s10 =	sld [smem:$0x3FB7];
	_ =	sdelay $0x3  }
0x33: {  	p0 =	seq.s32 s10, $0x1;
	s10 =	sld [smem:$0x3FB9];
	_ =	sdelay $0x3  }
0x34: {  	[smem:$0x3FB9] =	sst s10  }
0x35: {  	s10 =	sld [smem:$0x3FB8];
	_ =	sdelay $0x3  }
0x36: {  	p1 =	seq.s32 s10, $0x1;
	s10 =	sld [smem:$0x3FB9];
	_ =	sdelay $0x3  }
0x37: {  	[smem:$0x3FB9] =	sst s10  }
0x38: {  	s10 =	sld [smem:$0x3FBA]  }
0x39: {  	_ = 	snop;
	(pc) =	sbr.ind lr, $3  }
0x3a: {  	_ = 	snop  }
0x3b: {  	_ = 	snop  }
0x3c: {  	p2 =	seq.s32 s10, $0x1;
	s10 =	sld [smem:$0x3FB9]  }
0x3d: {  	_ =	shalt  }
0x3e: {  	_ =	shalt  }
0x3f: {  	_ =	shalt  }
0x40: {  	_ =	shalt  }
0x41: {  	_ =	shalt  }
0x42: {  	_ =	shalt  }
0x43: {  	_ =	shalt  }
0x44: {  	_ =	shalt  }
0x45: {  	_ =	shalt  }
0x46: {  	_ =	shalt  }
0x47: {  	_ =	shalt  }
0x48: {  	_ =	shalt  }
0x49: {  	_ =	shalt  }
0x4a: {  	_ =	shalt  }
0x4b: {  	_ =	shalt  }
0x4c: {  	_ =	shalt  }
0x4d: {  	_ =	shalt  }
0x4e: {  	_ =	shalt  }
0x4f: {  	_ =	shalt  }
0x50: {  	_ =	shalt  }
0x51: {  	_ =	shalt  }
0x52: {  	_ =	shalt  }
0x53: {  	_ =	shalt  }
0x54: {  	_ =	shalt  }
0x55: {  	_ =	shalt  }
0x56: {  	_ =	shalt  }
0x57: {  	_ =	shalt  }
0x58: {  	_ =	shalt  }
0x59: {  	_ =	shalt  }
0x5a: {  	_ =	shalt  }
0x5b: {  	_ =	shalt  }
0x5c: {  	_ =	shalt  }
0x5d: {  	_ =	shalt  }
0x5e: {  	_ =	shalt  }
0x5f: {  	_ =	shalt  }
0x60: {  	_ =	shalt  }
0x61: {  	_ =	shalt  }
0x62: {  	_ =	shalt  }
0x63: {  	_ =	shalt  }
0x64: {  	_ =	shalt  }
0x65: {  	_ =	shalt  }
0x66: {  	_ =	shalt  }
0x67: {  	_ =	shalt  }
0x68: {  	_ =	shalt  }
0x69: {  	_ =	shalt  }
0x6a: {  	_ =	shalt  }
0x6b: {  	_ =	shalt  }
0x6c: {  	_ =	shalt  }
0x6d: {  	_ =	shalt  }
0x6e: {  	_ =	shalt  }
0x6f: {  	_ =	shalt  }
0x70: {  	_ =	shalt  }
0x71: {  	_ =	shalt  }
0x72: {  	_ =	shalt  }
0x73: {  	_ =	shalt  }
0x74: {  	_ =	shalt  }
0x75: {  	_ =	shalt  }
0x76: {  	_ =	shalt  }
0x77: {  	_ =	shalt  }
0x78: {  	_ =	shalt  }
0x79: {  	_ =	shalt  }
0x7a: {  	_ =	shalt  }
0x7b: {  	_ =	shalt  }
0x7c: {  	_ =	shalt  }
0x7d: {  	_ =	shalt  }
0x7e: {  	_ =	shalt  }
0x7f: {  	_ =	shalt  }
0x80: {  	_ =	shalt  }
0x81: {  	_ =	shalt  }
0x82: {  	_ =	shalt  }
0x83: {  	_ =	shalt  }
0x84: {  	_ =	shalt  }
0x85: {  	_ =	shalt  }
0x86: {  	_ =	shalt  }
0x87: {  	_ =	shalt  }
.Lfunc_end0:
.L_simem_size_0:
called_computation_lowered:
.L_overlay_start_0:
0x88: {  	s0 =	sld [smem:$0x3FD9]  }
0x89: {  	s1 =	sld [smem:$0x3FFE];
	_ =	sdelay $0x3  }
0x8a: {  	s0 =	sadd.s32 s1, s0  }
0x8b: {  	[smem:$0x3FC5] =	sst s0  }
0x8c: {  	_ = 	snop  }
0x8d: {  	s0 =	sld [smem:$0x3FD0]  }
0x8e: {  	s14 =	sld [smem:$0x3FC9]  }
0x8f: {  	s2 =	sld [smem:$0x3FC8]  }
0x90: {  	s4 =	simm.s32 $0xA;
	s5 =	simm.s32 $0x10;
	s3 =	sld [smem:$0x3FC7]  }
0x91: {  	[smem:s5], [sflag:s4] =	dma.local [hbm:s0], $0x1  }
0x92: {  	_ =	swait.eq [sflag:s4], $0x1  }
0x93: {  	[sflag:s4] =	ssyncset.done $0x0  }
0x94: {  	s15 =	sld [smem:$0x10];
	[sflag:s4] =	ssyncadd.s32 $0xFFFFFFFF  }
0x95: {  	s16 =	sld [smem:$0x11];
	(tm) =	ssettm $0x1  }
0x96: {  	s17 =	sld [smem:$0x3FFB];
	_ =	sdelay $0x3  }
0x97: {  	_ =	strace s17  }
0x98: {  	s5 =	sld [smem:$0x3FFC];
	_ =	sdelay $0x3  }
0x99: {  	_ =	strace s5  }
0x9a: {  	s5 =	sld [smem:$0x3FFD];
	_ =	sdelay $0x3  }
0x9b: {  	_ =	strace s5  }
0x9c: {  	_ =	strace $0x8FFFFFFF  }
0x9d: {  	s18 =	sld [smem:$0x3FDB];
	_ =	sdelay $0x1  }
0x9e: {  	s6 =	simm.s32 $_scs_section_size  }
0x9f: {  	s7 =	simm.s32 $_size__tile_overlayer_lowered;
	s8 =	simm.s32 $_tile_overlayer_lowered  }
0xa0: {  	s21 =	simm.s32 $0x1BFF;
	s20 =	sshll.u32 s8, $0x1;
	s5 =	sadd.s32 s6, s18  }
0xa1: {  	s9 =	simm.s32 $0x0;
	s19 =	sshll.u32 s7, $0x1;
	s7 =	sadd.s32 s20, s5  }
0xa2: {  	[timem:s9], [sflag:s21] =	dma.local [hbm:s7], s19  }
0xa3: {  	_ =	swait.ge [sflag:s21], s19  }
0xa4: {  	s6 =	ssub.s32 $0x0, s19;
	[sflag:s21] =	ssyncset.done $0x0  }
0xa5: {  	[sflag:s21] =	ssyncadd.s32 s6;
	_ =	sdelay $0x1  }
0xa6: {  	s22 =	simm.s32 $0x1B8B  }
0xa7: {  	_ =	swait.ge [sflag:s22], $0x1  }
0xa8: {  	[sflag:s22] =	ssyncset.done $0x0  }
0xa9: {  	s23 =	simm.s32 $0x1B8E;
	[sflag:s22] =	ssyncadd.s32 $0xFFFFFFFF  }
0xaa: {  	s24 =	simm.s32 $execute0_lowered;
	[smem:$0x3FD2] =	sst s23  }
0xab: {  	s6 =	sshll.u32 s24, $0x1;
	_ =	strace $0x80000046;
	[dreg:$0x1] =	wrdreg $0xFFFFFFFF  }
0xac: {  	s25 =	simm.s32 $_size_execute0_lowered;
	s5 =	sadd.s32 s5, s6;
	[dreg:$0x0] =	wrdreg $0x0  }
0xad: {  	s6 =	sshll.u32 s25, $0x1;
	[dreg:$0x2] =	wrdreg s5  }
0xae: {  	[dreg:$0x3] =	wrdreg s6  }
0xaf: {  	[dreg:$0x4] =	wrdreg $0xC0  }
0xb0: {  	_ =	task [dreg:s9], $0x5FFFF  }
0xb1: {  	[dreg:$0x1] =	wrdreg $0xFFFFFFFF  }
0xb2: {  	[dreg:$0x0] =	wrdreg $0x60  }
0xb3: {  	[dreg:$0x2] =	wrdreg s14  }
0xb4: {  	[dreg:$0x3] =	wrdreg s2  }
0xb5: {  	[dreg:$0x4] =	wrdreg s3  }
0xb6: {  	[dreg:$0x5] =	wrdreg s15  }
0xb7: {  	[dreg:$0x6] =	wrdreg s16  }
0xb8: {  	[dreg:$0x7] =	wrdreg $0x9  }
0xb9: {  	_ =	task.clear_ibuf [dreg:s9], $0x8FFFF;
	_ =	strace $0x90000046  }
0xba: {  	s26 =	simm.s32 $0x9;
	_ =	strace $0x80000048  }
0xbb: {  	_ =	swait.ge [sflag:s26], $0x1  }
0xbc: {  	[sflag:s26] =	ssyncadd.s32 $0xFFFFFFFF  }
0xbd: {  	_ =	strace $0x90000048  }
0xbe: {  	_ =	sfence  }
0xbf: {  	s28 =	sld [smem:$0x0];
	_ =	sdelay $0x1  }
0xc0: {  	s29 =	srdreg.scid  }
0xc1: {  	s30 =	sshll.u32 s29, $0xD;
	s31 =	sshrl.u32 s29, $0x2  }
0xc2: {  	s1 =	sand.u32 $0x1, s29;
	s2 =	sand.u32 $0x4000, s30;
	s0 =	sadd.s32 s31, s28  }
0xc3: {  	s1 =	sor.u32 s2, s1;
	s0 =	sshll.u32 s0, $0x11  }
0xc4: {  	s0 =	sor.u32 s0, s1  }
0xc5: {  	s0 =	sadd.s32 $0x8F2B, s0  }
0xc6: {  	[sflag:s0] =	ssyncadd.remote.s32 $0x1  }
0xc7: {  	_ =	sfence.sel $0xFFFF  }
0xc8: {  	[dreg:$0x0] =	wrdreg $0xFFFFFFFF;
	(pc) =	sbr.abs _section_cstart, $3  }
0xc9: {  	[dreg:$0x1] =	wrdreg $0xFFFFFFFF  }
0xca: {  	_ =	task.clear_ibuf [dreg:s9], $0x2FFFF;
	_ =	strace $0x9FFFFFFF  }
0xcb: {  	(tm) =	ssettm $0x7FFFFFFF  }
tec
execute0_lowered:
.L_overlay_start_1:
0x0: {  	(tag) =	ssettag $0x1  }
0x1: {  	s7 =	rddreg [dreg:$0x0]  }
0x2: {  	s8 =	rddreg [dreg:$0x1]  }
0x3: {  	s9 =	rddreg [dreg:$0x2]  }
0x4: {  	s4 =	rddreg [dreg:$0x3]  }
0x5: {  	s2 =	rddreg [dreg:$0x4]  }
0x6: {  	s0 =	rddreg [dreg:$0x5];
	s3 =	simm.s32 $0x0  }
0x7: {  	s1 =	stileid.u32;
	[smem:$0x7FF] =	sst s3  }
0x8: {  	s6 =	simm.s32 $0x800;
	s5 =	sshll.u32 s1, $0x7;
	_ =	strace $0x80000047  }
0x9: {  	[tilespmem:s6], [sflag:$0x1] =	stream.linear.gather [hbm4b:s9+s3], $0x80, $0x38;
	[tilespmem:$0x1080] =	vst v63  }
0xa: {  	s7 =	sadd.s32 s7, s5  }
0xb: {  	[tilespmem:s3], [sflag:$0x1] =	stream.linear.gather [hbm4b:s7+s3], $0x400, $0x38;
	[tilespmem:$0x1080] =	vst v63  }
0xc: {  	s22 =	simm.s32 $0x400;
	s23 =	simm.s32 $0x1;
	s21 =	sadd.s32 s8, s5  }
0xd: {  	[tilespmem:s22], [sflag:$0x1] =	stream.linear.gather [hbm4b:s21+s3], $0x400, $0x38;
	[tilespmem:$0x1080] =	vst v63  }
0xe: {  	_ =	swait.ge [sflag:s23], $0x80  }
0xf: {  	[sflag:s23] =	ssyncset.done $0x0  }
0x10: {  	[sflag:s23] =	ssyncadd.s32 $0xFFFFFF80  }
0x11: {  	_ =	swait.ge [sflag:s23], $0x400  }
0x12: {  	[sflag:s23] =	ssyncset.done $0x0  }
0x13: {  	[sflag:s23] =	ssyncadd.s32 $0xFFFFFC00  }
0x14: {  	_ =	swait.ge [sflag:s23], $0x400  }
0x15: {  	[sflag:s23] =	ssyncset.done $0x0  }
0x16: {  	[sflag:s23] =	ssyncadd.s32 $0xFFFFFC00  }
0x17: {  	v0 =	vld [tilespmem:$0x400];
	_ =	sdelay $0x5  }
0x18: {  	v1 =	vld [tilespmem:$0x0]  }
0x19: {  	v2 =	vld [tilespmem:$0x410]  }
0x1a: {  	v0 =	vld.idx.msk [tilespmem:v0+s6+$0x0], $0xffff;
	_ =	sdelay $0x4  }
0x1b: {  	v1 =	vmul.f32 v1, v0  }
0x1c: {  	v59 =	vld [tilespmem:$0x10];
	[tilespmem:$0xC80] =	vst v0  }
0x1d: {  	v60 =	vld [tilespmem:$0x420];
	[tilespmem:$0x880] =	vst v1  }
0x1e: {  	v0 =	vld.idx.msk [tilespmem:v2+s6+$0x0], $0xffff;
	_ =	sdelay $0x4  }
0x1f: {  	v1 =	vmul.f32 v59, v0  }
0x20: {  	v61 =	vld [tilespmem:$0x20];
	[tilespmem:$0xC90] =	vst v0  }
0x21: {  	v62 =	vld [tilespmem:$0x430];
	[tilespmem:$0x890] =	vst v1  }
0x22: {  	v0 =	vld.idx.msk [tilespmem:v60+s6+$0x0], $0xffff;
	_ =	sdelay $0x4  }
0x23: {  	v1 =	vmul.f32 v61, v0  }
0x24: {  	v63 =	vld [tilespmem:$0x30];
	[tilespmem:$0xCA0] =	vst v0  }
0x25: {  	v4 =	vld [tilespmem:$0x440];
	[tilespmem:$0x8A0] =	vst v1  }
0x26: {  	v0 =	vld.idx.msk [tilespmem:v62+s6+$0x0], $0xffff;
	_ =	sdelay $0x4  }
0x27: {  	v1 =	vmul.f32 v63, v0  }
0x28: {  	v5 =	vld [tilespmem:$0x40];
	[tilespmem:$0xCB0] =	vst v0  }
0x29: {  	v6 =	vld [tilespmem:$0x450];
	[tilespmem:$0x8B0] =	vst v1  }
0x2a: {  	v0 =	vld.idx.msk [tilespmem:v4+s6+$0x0], $0xffff;
	_ =	sdelay $0x4  }
0x2b: {  	v1 =	vmul.f32 v5, v0  }
0x2c: {  	v7 =	vld [tilespmem:$0x50];
	[tilespmem:$0xCC0] =	vst v0  }
0x2d: {  	v8 =	vld [tilespmem:$0x460];
	[tilespmem:$0x8C0] =	vst v1  }
0x2e: {  	v0 =	vld.idx.msk [tilespmem:v6+s6+$0x0], $0xffff;
	_ =	sdelay $0x4  }
0x2f: {  	v1 =	vmul.f32 v7, v0  }
0x30: {  	v9 =	vld [tilespmem:$0x60];
	[tilespmem:$0xCD0] =	vst v0  }
0x31: {  	v10 =	vld [tilespmem:$0x470];
	[tilespmem:$0x8D0] =	vst v1  }
0x32: {  	v0 =	vld.idx.msk [tilespmem:v8+s6+$0x0], $0xffff;
	_ =	sdelay $0x4  }
0x33: {  	v1 =	vmul.f32 v9, v0  }
0x34: {  	v11 =	vld [tilespmem:$0x70];
	[tilespmem:$0xCE0] =	vst v0  }
0x35: {  	v12 =	vld [tilespmem:$0x480];
	[tilespmem:$0x8E0] =	vst v1  }
0x36: {  	v0 =	vld.idx.msk [tilespmem:v10+s6+$0x0], $0xffff;
	_ =	sdelay $0x4  }
0x37: {  	v1 =	vmul.f32 v11, v0  }
0x38: {  	v13 =	vld [tilespmem:$0x80];
	[tilespmem:$0xCF0] =	vst v0  }
0x39: {  	v14 =	vld [tilespmem:$0x490];
	[tilespmem:$0x8F0] =	vst v1  }
0x3a: {  	v0 =	vld.idx.msk [tilespmem:v12+s6+$0x0], $0xffff;
	_ =	sdelay $0x4  }
0x3b: {  	v1 =	vmul.f32 v13, v0  }
0x3c: {  	v15 =	vld [tilespmem:$0x90];
	[tilespmem:$0xD00] =	vst v0  }
0x3d: {  	v16 =	vld [tilespmem:$0x4A0];
	[tilespmem:$0x900] =	vst v1  }
0x3e: {  	v0 =	vld.idx.msk [tilespmem:v14+s6+$0x0], $0xffff;
	_ =	sdelay $0x4  }
0x3f: {  	v1 =	vmul.f32 v15, v0  }
0x40: {  	v17 =	vld [tilespmem:$0xA0];
	[tilespmem:$0xD10] =	vst v0  }
0x41: {  	v18 =	vld [tilespmem:$0x4B0];
	[tilespmem:$0x910] =	vst v1  }
0x42: {  	v0 =	vld.idx.msk [tilespmem:v16+s6+$0x0], $0xffff;
	_ =	sdelay $0x4  }
0x43: {  	v1 =	vmul.f32 v17, v0  }
0x44: {  	v19 =	vld [tilespmem:$0xB0];
	[tilespmem:$0xD20] =	vst v0  }
0x45: {  	v20 =	vld [tilespmem:$0x4C0];
	[tilespmem:$0x920] =	vst v1  }
0x46: {  	v0 =	vld.idx.msk [tilespmem:v18+s6+$0x0], $0xffff;
	_ =	sdelay $0x4  }
0x47: {  	v1 =	vmul.f32 v19, v0  }
0x48: {  	v21 =	vld [tilespmem:$0xC0];
	[tilespmem:$0xD30] =	vst v0  }
0x49: {  	v22 =	vld [tilespmem:$0x4D0];
	[tilespmem:$0x930] =	vst v1  }
0x4a: {  	v0 =	vld.idx.msk [tilespmem:v20+s6+$0x0], $0xffff;
	_ =	sdelay $0x4  }
0x4b: {  	v1 =	vmul.f32 v21, v0  }
0x4c: {  	v23 =	vld [tilespmem:$0xD0];
	[tilespmem:$0xD40] =	vst v0  }
0x4d: {  	v24 =	vld [tilespmem:$0x4E0];
	[tilespmem:$0x940] =	vst v1  }
0x4e: {  	v0 =	vld.idx.msk [tilespmem:v22+s6+$0x0], $0xffff;
	_ =	sdelay $0x4  }
0x4f: {  	v1 =	vmul.f32 v23, v0  }
0x50: {  	v25 =	vld [tilespmem:$0xE0];
	[tilespmem:$0xD50] =	vst v0  }
0x51: {  	v26 =	vld [tilespmem:$0x4F0];
	[tilespmem:$0x950] =	vst v1  }
0x52: {  	v0 =	vld.idx.msk [tilespmem:v24+s6+$0x0], $0xffff;
	_ =	sdelay $0x4  }
0x53: {  	v1 =	vmul.f32 v25, v0  }
0x54: {  	v27 =	vld [tilespmem:$0xF0];
	[tilespmem:$0xD60] =	vst v0  }
0x55: {  	v28 =	vld [tilespmem:$0x500];
	[tilespmem:$0x960] =	vst v1  }
0x56: {  	v0 =	vld.idx.msk [tilespmem:v26+s6+$0x0], $0xffff;
	_ =	sdelay $0x4  }
0x57: {  	v1 =	vmul.f32 v27, v0  }
0x58: {  	v29 =	vld [tilespmem:$0x100];
	[tilespmem:$0xD70] =	vst v0  }
0x59: {  	v30 =	vld [tilespmem:$0x510];
	[tilespmem:$0x970] =	vst v1  }
0x5a: {  	v0 =	vld.idx.msk [tilespmem:v28+s6+$0x0], $0xffff;
	_ =	sdelay $0x4  }
0x5b: {  	v1 =	vmul.f32 v29, v0  }
0x5c: {  	v31 =	vld [tilespmem:$0x110];
	[tilespmem:$0xD80] =	vst v0  }
0x5d: {  	v32 =	vld [tilespmem:$0x520];
	[tilespmem:$0x980] =	vst v1  }
0x5e: {  	v0 =	vld.idx.msk [tilespmem:v30+s6+$0x0], $0xffff;
	_ =	sdelay $0x4  }
0x5f: {  	v1 =	vmul.f32 v31, v0  }
0x60: {  	v33 =	vld [tilespmem:$0x120];
	[tilespmem:$0xD90] =	vst v0  }
0x61: {  	v34 =	vld [tilespmem:$0x530];
	[tilespmem:$0x990] =	vst v1  }
0x62: {  	v0 =	vld.idx.msk [tilespmem:v32+s6+$0x0], $0xffff;
	_ =	sdelay $0x4  }
0x63: {  	v1 =	vmul.f32 v33, v0  }
0x64: {  	v35 =	vld [tilespmem:$0x130];
	[tilespmem:$0xDA0] =	vst v0  }
0x65: {  	v36 =	vld [tilespmem:$0x540];
	[tilespmem:$0x9A0] =	vst v1  }
0x66: {  	v0 =	vld.idx.msk [tilespmem:v34+s6+$0x0], $0xffff;
	_ =	sdelay $0x4  }
0x67: {  	v1 =	vmul.f32 v35, v0  }
0x68: {  	v37 =	vld [tilespmem:$0x140];
	[tilespmem:$0xDB0] =	vst v0  }
0x69: {  	v38 =	vld [tilespmem:$0x550];
	[tilespmem:$0x9B0] =	vst v1  }
0x6a: {  	v0 =	vld.idx.msk [tilespmem:v36+s6+$0x0], $0xffff;
	_ =	sdelay $0x4  }
0x6b: {  	v1 =	vmul.f32 v37, v0  }
0x6c: {  	v39 =	vld [tilespmem:$0x150];
	[tilespmem:$0xDC0] =	vst v0  }
0x6d: {  	v40 =	vld [tilespmem:$0x560];
	[tilespmem:$0x9C0] =	vst v1  }
0x6e: {  	v0 =	vld.idx.msk [tilespmem:v38+s6+$0x0], $0xffff;
	_ =	sdelay $0x4  }
0x6f: {  	v1 =	vmul.f32 v39, v0  }
0x70: {  	v41 =	vld [tilespmem:$0x160];
	[tilespmem:$0xDD0] =	vst v0  }
0x71: {  	v42 =	vld [tilespmem:$0x570];
	[tilespmem:$0x9D0] =	vst v1  }
0x72: {  	v0 =	vld.idx.msk [tilespmem:v40+s6+$0x0], $0xffff;
	_ =	sdelay $0x4  }
0x73: {  	v1 =	vmul.f32 v41, v0  }
0x74: {  	v43 =	vld [tilespmem:$0x170];
	[tilespmem:$0xDE0] =	vst v0  }
0x75: {  	v44 =	vld [tilespmem:$0x580];
	[tilespmem:$0x9E0] =	vst v1  }
0x76: {  	v0 =	vld.idx.msk [tilespmem:v42+s6+$0x0], $0xffff;
	_ =	sdelay $0x4  }
0x77: {  	v1 =	vmul.f32 v43, v0  }
0x78: {  	v45 =	vld [tilespmem:$0x180];
	[tilespmem:$0xDF0] =	vst v0  }
0x79: {  	v46 =	vld [tilespmem:$0x590];
	[tilespmem:$0x9F0] =	vst v1  }
0x7a: {  	v0 =	vld.idx.msk [tilespmem:v44+s6+$0x0], $0xffff;
	_ =	sdelay $0x4  }
0x7b: {  	v1 =	vmul.f32 v45, v0  }
0x7c: {  	v47 =	vld [tilespmem:$0x190];
	[tilespmem:$0xE00] =	vst v0  }
0x7d: {  	v48 =	vld [tilespmem:$0x5A0];
	[tilespmem:$0xA00] =	vst v1  }
0x7e: {  	v0 =	vld.idx.msk [tilespmem:v46+s6+$0x0], $0xffff;
	_ =	sdelay $0x4  }
0x7f: {  	v1 =	vmul.f32 v47, v0  }
0x80: {  	v49 =	vld [tilespmem:$0x1A0];
	[tilespmem:$0xE10] =	vst v0  }
0x81: {  	v50 =	vld [tilespmem:$0x5B0];
	[tilespmem:$0xA10] =	vst v1  }
0x82: {  	v0 =	vld.idx.msk [tilespmem:v48+s6+$0x0], $0xffff;
	_ =	sdelay $0x4  }
0x83: {  	v1 =	vmul.f32 v49, v0  }
0x84: {  	v51 =	vld [tilespmem:$0x1B0];
	[tilespmem:$0xE20] =	vst v0  }
0x85: {  	v52 =	vld [tilespmem:$0x5C0];
	[tilespmem:$0xA20] =	vst v1  }
0x86: {  	v0 =	vld.idx.msk [tilespmem:v50+s6+$0x0], $0xffff;
	_ =	sdelay $0x4  }
0x87: {  	v1 =	vmul.f32 v51, v0  }
0x88: {  	v53 =	vld [tilespmem:$0x1C0];
	[tilespmem:$0xE30] =	vst v0  }
0x89: {  	v54 =	vld [tilespmem:$0x5D0];
	[tilespmem:$0xA30] =	vst v1  }
0x8a: {  	v0 =	vld.idx.msk [tilespmem:v52+s6+$0x0], $0xffff;
	_ =	sdelay $0x4  }
0x8b: {  	v1 =	vmul.f32 v53, v0  }
0x8c: {  	v55 =	vld [tilespmem:$0x1D0];
	[tilespmem:$0xE40] =	vst v0  }
0x8d: {  	v56 =	vld [tilespmem:$0x5E0];
	[tilespmem:$0xA40] =	vst v1  }
0x8e: {  	v0 =	vld.idx.msk [tilespmem:v54+s6+$0x0], $0xffff;
	_ =	sdelay $0x4  }
0x8f: {  	v1 =	vmul.f32 v55, v0  }
0x90: {  	v57 =	vld [tilespmem:$0x1E0];
	[tilespmem:$0xE50] =	vst v0  }
0x91: {  	v58 =	vld [tilespmem:$0x5F0];
	[tilespmem:$0xA50] =	vst v1  }
0x92: {  	v0 =	vld.idx.msk [tilespmem:v56+s6+$0x0], $0xffff;
	_ =	sdelay $0x4  }
0x93: {  	v1 =	vmul.f32 v57, v0  }
0x94: {  	[tilespmem:$0xE60] =	vst v0  }
0x95: {  	v59 =	vld [tilespmem:$0x1F0];
	[tilespmem:$0xA60] =	vst v1  }
0x96: {  	v0 =	vld.idx.msk [tilespmem:v58+s6+$0x0], $0xffff;
	_ =	sdelay $0x4  }
0x97: {  	v1 =	vmul.f32 v59, v0  }
0x98: {  	[tilespmem:$0xE70] =	vst v0  }
0x99: {  	s25 =	simm.s32 $0x880;
	s24 =	sadd.s32 s4, s5;
	[tilespmem:$0xA70] =	vst v1  }
0x9a: {  	[hbm4b:s24+s3] =	stream.linear.scatter [tilespmem:s25], [sflag:$0x2], $0x200, $0x38;
	[tilespmem:$0x1080] =	vst v63  }
0x9b: {  	s28 =	simm.s32 $0xC80;
	s26 =	sadd.s32 s2, s5  }
0x9c: {  	[hbm4b:s26+s3] =	stream.linear.scatter [tilespmem:s28], [sflag:$0x2], $0x200, $0x38;
	[tilespmem:$0x1080] =	vst v63  }
0x9d: {  	v60 =	vld [tilespmem:$0x600];
	_ =	sdelay $0x5  }
0x9e: {  	v61 =	vld [tilespmem:$0x200]  }
0x9f: {  	v62 =	vld [tilespmem:$0x610]  }
0xa0: {  	v0 =	vld.idx.msk [tilespmem:v60+s6+$0x0], $0xffff;
	_ =	sdelay $0x4  }
0xa1: {  	v1 =	vmul.f32 v61, v0  }
0xa2: {  	v63 =	vld [tilespmem:$0x210];
	[tilespmem:$0xE80] =	vst v0  }
0xa3: {  	v4 =	vld [tilespmem:$0x620];
	[tilespmem:$0xA80] =	vst v1  }
0xa4: {  	v0 =	vld.idx.msk [tilespmem:v62+s6+$0x0], $0xffff;
	_ =	sdelay $0x4  }
0xa5: {  	v1 =	vmul.f32 v63, v0  }
0xa6: {  	v5 =	vld [tilespmem:$0x220];
	[tilespmem:$0xE90] =	vst v0  }
0xa7: {  	v6 =	vld [tilespmem:$0x630];
	[tilespmem:$0xA90] =	vst v1  }
0xa8: {  	v0 =	vld.idx.msk [tilespmem:v4+s6+$0x0], $0xffff;
	_ =	sdelay $0x4  }
0xa9: {  	v1 =	vmul.f32 v5, v0  }
0xaa: {  	v7 =	vld [tilespmem:$0x230];
	[tilespmem:$0xEA0] =	vst v0  }
0xab: {  	v8 =	vld [tilespmem:$0x640];
	[tilespmem:$0xAA0] =	vst v1  }
0xac: {  	v0 =	vld.idx.msk [tilespmem:v6+s6+$0x0], $0xffff;
	_ =	sdelay $0x4  }
0xad: {  	v1 =	vmul.f32 v7, v0  }
0xae: {  	v9 =	vld [tilespmem:$0x240];
	[tilespmem:$0xEB0] =	vst v0  }
0xaf: {  	v10 =	vld [tilespmem:$0x650];
	[tilespmem:$0xAB0] =	vst v1  }
0xb0: {  	v0 =	vld.idx.msk [tilespmem:v8+s6+$0x0], $0xffff;
	_ =	sdelay $0x4  }
0xb1: {  	v1 =	vmul.f32 v9, v0  }
0xb2: {  	v11 =	vld [tilespmem:$0x250];
	[tilespmem:$0xEC0] =	vst v0  }
0xb3: {  	v12 =	vld [tilespmem:$0x660];
	[tilespmem:$0xAC0] =	vst v1  }
0xb4: {  	v0 =	vld.idx.msk [tilespmem:v10+s6+$0x0], $0xffff;
	_ =	sdelay $0x4  }
0xb5: {  	v1 =	vmul.f32 v11, v0  }
0xb6: {  	v13 =	vld [tilespmem:$0x260];
	[tilespmem:$0xED0] =	vst v0  }
0xb7: {  	v14 =	vld [tilespmem:$0x670];
	[tilespmem:$0xAD0] =	vst v1  }
0xb8: {  	v0 =	vld.idx.msk [tilespmem:v12+s6+$0x0], $0xffff;
	_ =	sdelay $0x4  }
0xb9: {  	v1 =	vmul.f32 v13, v0  }
0xba: {  	v15 =	vld [tilespmem:$0x270];
	[tilespmem:$0xEE0] =	vst v0  }
0xbb: {  	v16 =	vld [tilespmem:$0x680];
	[tilespmem:$0xAE0] =	vst v1  }
0xbc: {  	v0 =	vld.idx.msk [tilespmem:v14+s6+$0x0], $0xffff;
	_ =	sdelay $0x4  }
0xbd: {  	v1 =	vmul.f32 v15, v0  }
0xbe: {  	v17 =	vld [tilespmem:$0x280];
	[tilespmem:$0xEF0] =	vst v0  }
0xbf: {  	v18 =	vld [tilespmem:$0x690];
	[tilespmem:$0xAF0] =	vst v1  }
0xc0: {  	v0 =	vld.idx.msk [tilespmem:v16+s6+$0x0], $0xffff;
	_ =	sdelay $0x4  }
0xc1: {  	v1 =	vmul.f32 v17, v0  }
0xc2: {  	v19 =	vld [tilespmem:$0x290];
	[tilespmem:$0xF00] =	vst v0  }
0xc3: {  	v20 =	vld [tilespmem:$0x6A0];
	[tilespmem:$0xB00] =	vst v1  }
0xc4: {  	v0 =	vld.idx.msk [tilespmem:v18+s6+$0x0], $0xffff;
	_ =	sdelay $0x4  }
0xc5: {  	v1 =	vmul.f32 v19, v0  }
0xc6: {  	v21 =	vld [tilespmem:$0x2A0];
	[tilespmem:$0xF10] =	vst v0  }
0xc7: {  	v22 =	vld [tilespmem:$0x6B0];
	[tilespmem:$0xB10] =	vst v1  }
0xc8: {  	v0 =	vld.idx.msk [tilespmem:v20+s6+$0x0], $0xffff;
	_ =	sdelay $0x4  }
0xc9: {  	v1 =	vmul.f32 v21, v0  }
0xca: {  	v23 =	vld [tilespmem:$0x2B0];
	[tilespmem:$0xF20] =	vst v0  }
0xcb: {  	v24 =	vld [tilespmem:$0x6C0];
	[tilespmem:$0xB20] =	vst v1  }
0xcc: {  	v0 =	vld.idx.msk [tilespmem:v22+s6+$0x0], $0xffff;
	_ =	sdelay $0x4  }
0xcd: {  	v1 =	vmul.f32 v23, v0  }
0xce: {  	v25 =	vld [tilespmem:$0x2C0];
	[tilespmem:$0xF30] =	vst v0  }
0xcf: {  	v26 =	vld [tilespmem:$0x6D0];
	[tilespmem:$0xB30] =	vst v1  }
0xd0: {  	v0 =	vld.idx.msk [tilespmem:v24+s6+$0x0], $0xffff;
	_ =	sdelay $0x4  }
0xd1: {  	v1 =	vmul.f32 v25, v0  }
0xd2: {  	v27 =	vld [tilespmem:$0x2D0];
	[tilespmem:$0xF40] =	vst v0  }
0xd3: {  	v28 =	vld [tilespmem:$0x6E0];
	[tilespmem:$0xB40] =	vst v1  }
0xd4: {  	v0 =	vld.idx.msk [tilespmem:v26+s6+$0x0], $0xffff;
	_ =	sdelay $0x4  }
0xd5: {  	v1 =	vmul.f32 v27, v0  }
0xd6: {  	v29 =	vld [tilespmem:$0x2E0];
	[tilespmem:$0xF50] =	vst v0  }
0xd7: {  	v30 =	vld [tilespmem:$0x6F0];
	[tilespmem:$0xB50] =	vst v1  }
0xd8: {  	v0 =	vld.idx.msk [tilespmem:v28+s6+$0x0], $0xffff;
	_ =	sdelay $0x4  }
0xd9: {  	v1 =	vmul.f32 v29, v0  }
0xda: {  	v31 =	vld [tilespmem:$0x2F0];
	[tilespmem:$0xF60] =	vst v0  }
0xdb: {  	v32 =	vld [tilespmem:$0x700];
	[tilespmem:$0xB60] =	vst v1  }
0xdc: {  	v0 =	vld.idx.msk [tilespmem:v30+s6+$0x0], $0xffff;
	_ =	sdelay $0x4  }
0xdd: {  	v1 =	vmul.f32 v31, v0  }
0xde: {  	v33 =	vld [tilespmem:$0x300];
	[tilespmem:$0xF70] =	vst v0  }
0xdf: {  	v34 =	vld [tilespmem:$0x710];
	[tilespmem:$0xB70] =	vst v1  }
0xe0: {  	v0 =	vld.idx.msk [tilespmem:v32+s6+$0x0], $0xffff;
	_ =	sdelay $0x4  }
0xe1: {  	v1 =	vmul.f32 v33, v0  }
0xe2: {  	v35 =	vld [tilespmem:$0x310];
	[tilespmem:$0xF80] =	vst v0  }
0xe3: {  	v36 =	vld [tilespmem:$0x720];
	[tilespmem:$0xB80] =	vst v1  }
0xe4: {  	v0 =	vld.idx.msk [tilespmem:v34+s6+$0x0], $0xffff;
	_ =	sdelay $0x4  }
0xe5: {  	v1 =	vmul.f32 v35, v0  }
0xe6: {  	v37 =	vld [tilespmem:$0x320];
	[tilespmem:$0xF90] =	vst v0  }
0xe7: {  	v38 =	vld [tilespmem:$0x730];
	[tilespmem:$0xB90] =	vst v1  }
0xe8: {  	v0 =	vld.idx.msk [tilespmem:v36+s6+$0x0], $0xffff;
	_ =	sdelay $0x4  }
0xe9: {  	v1 =	vmul.f32 v37, v0  }
0xea: {  	v39 =	vld [tilespmem:$0x330];
	[tilespmem:$0xFA0] =	vst v0  }
0xeb: {  	v40 =	vld [tilespmem:$0x740];
	[tilespmem:$0xBA0] =	vst v1  }
0xec: {  	v0 =	vld.idx.msk [tilespmem:v38+s6+$0x0], $0xffff;
	_ =	sdelay $0x4  }
0xed: {  	v1 =	vmul.f32 v39, v0  }
0xee: {  	v41 =	vld [tilespmem:$0x340];
	[tilespmem:$0xFB0] =	vst v0  }
0xef: {  	v42 =	vld [tilespmem:$0x750];
	[tilespmem:$0xBB0] =	vst v1  }
0xf0: {  	v0 =	vld.idx.msk [tilespmem:v40+s6+$0x0], $0xffff;
	_ =	sdelay $0x4  }
0xf1: {  	v1 =	vmul.f32 v41, v0  }
0xf2: {  	v43 =	vld [tilespmem:$0x350];
	[tilespmem:$0xFC0] =	vst v0  }
0xf3: {  	v44 =	vld [tilespmem:$0x760];
	[tilespmem:$0xBC0] =	vst v1  }
0xf4: {  	v0 =	vld.idx.msk [tilespmem:v42+s6+$0x0], $0xffff;
	_ =	sdelay $0x4  }
0xf5: {  	v1 =	vmul.f32 v43, v0  }
0xf6: {  	v45 =	vld [tilespmem:$0x360];
	[tilespmem:$0xFD0] =	vst v0  }
0xf7: {  	v46 =	vld [tilespmem:$0x770];
	[tilespmem:$0xBD0] =	vst v1  }
0xf8: {  	v0 =	vld.idx.msk [tilespmem:v44+s6+$0x0], $0xffff;
	_ =	sdelay $0x4  }
0xf9: {  	v1 =	vmul.f32 v45, v0  }
0xfa: {  	v47 =	vld [tilespmem:$0x370];
	[tilespmem:$0xFE0] =	vst v0  }
0xfb: {  	v48 =	vld [tilespmem:$0x780];
	[tilespmem:$0xBE0] =	vst v1  }
0xfc: {  	v0 =	vld.idx.msk [tilespmem:v46+s6+$0x0], $0xffff;
	_ =	sdelay $0x4  }
0xfd: {  	v1 =	vmul.f32 v47, v0  }
0xfe: {  	v49 =	vld [tilespmem:$0x380];
	[tilespmem:$0xFF0] =	vst v0  }
0xff: {  	v50 =	vld [tilespmem:$0x790];
	[tilespmem:$0xBF0] =	vst v1  }
0x100: {  	v0 =	vld.idx.msk [tilespmem:v48+s6+$0x0], $0xffff;
	_ =	sdelay $0x4  }
0x101: {  	v1 =	vmul.f32 v49, v0  }
0x102: {  	v51 =	vld [tilespmem:$0x390];
	[tilespmem:$0x1000] =	vst v0  }
0x103: {  	v52 =	vld [tilespmem:$0x7A0];
	[tilespmem:$0xC00] =	vst v1  }
0x104: {  	v0 =	vld.idx.msk [tilespmem:v50+s6+$0x0], $0xffff;
	_ =	sdelay $0x4  }
0x105: {  	v1 =	vmul.f32 v51, v0  }
0x106: {  	v53 =	vld [tilespmem:$0x3A0];
	[tilespmem:$0x1010] =	vst v0  }
0x107: {  	v54 =	vld [tilespmem:$0x7B0];
	[tilespmem:$0xC10] =	vst v1  }
0x108: {  	v0 =	vld.idx.msk [tilespmem:v52+s6+$0x0], $0xffff;
	_ =	sdelay $0x4  }
0x109: {  	v1 =	vmul.f32 v53, v0  }
0x10a: {  	v55 =	vld [tilespmem:$0x3B0];
	[tilespmem:$0x1020] =	vst v0  }
0x10b: {  	v56 =	vld [tilespmem:$0x7C0];
	[tilespmem:$0xC20] =	vst v1  }
0x10c: {  	v0 =	vld.idx.msk [tilespmem:v54+s6+$0x0], $0xffff;
	_ =	sdelay $0x4  }
0x10d: {  	v1 =	vmul.f32 v55, v0  }
0x10e: {  	v57 =	vld [tilespmem:$0x3C0];
	[tilespmem:$0x1030] =	vst v0  }
0x10f: {  	v58 =	vld [tilespmem:$0x7D0];
	[tilespmem:$0xC30] =	vst v1  }
0x110: {  	v0 =	vld.idx.msk [tilespmem:v56+s6+$0x0], $0xffff;
	_ =	sdelay $0x4  }
0x111: {  	v1 =	vmul.f32 v57, v0  }
0x112: {  	v59 =	vld [tilespmem:$0x3D0];
	[tilespmem:$0x1040] =	vst v0  }
0x113: {  	v60 =	vld [tilespmem:$0x7E0];
	[tilespmem:$0xC40] =	vst v1  }
0x114: {  	v0 =	vld.idx.msk [tilespmem:v58+s6+$0x0], $0xffff;
	_ =	sdelay $0x4  }
0x115: {  	v1 =	vmul.f32 v59, v0  }
0x116: {  	v61 =	vld [tilespmem:$0x3E0];
	[tilespmem:$0x1050] =	vst v0  }
0x117: {  	v62 =	vld [tilespmem:$0x7F0];
	[tilespmem:$0xC50] =	vst v1  }
0x118: {  	v0 =	vld.idx.msk [tilespmem:v60+s6+$0x0], $0xffff;
	_ =	sdelay $0x4  }
0x119: {  	v1 =	vmul.f32 v61, v0  }
0x11a: {  	[tilespmem:$0x1060] =	vst v0  }
0x11b: {  	v63 =	vld [tilespmem:$0x3F0];
	[tilespmem:$0xC60] =	vst v1  }
0x11c: {  	v0 =	vld.idx.msk [tilespmem:v62+s6+$0x0], $0xffff;
	_ =	sdelay $0x4  }
0x11d: {  	v1 =	vmul.f32 v63, v0  }
0x11e: {  	s5 =	sor.u32 $0x40, s5;
	[tilespmem:$0x1070] =	vst v0  }
0x11f: {  	s29 =	simm.s32 $0xA80;
	s4 =	sadd.s32 s4, s5;
	[tilespmem:$0xC70] =	vst v1  }
0x120: {  	[hbm4b:s4+s3] =	stream.linear.scatter [tilespmem:s29], [sflag:$0x2], $0x200, $0x38;
	[tilespmem:$0x1080] =	vst v63  }
0x121: {  	s30 =	simm.s32 $0xE80;
	s31 =	simm.s32 $0x2;
	s2 =	sadd.s32 s2, s5  }
0x122: {  	[hbm4b:s2+s3] =	stream.linear.scatter [tilespmem:s30], [sflag:$0x2], $0x200, $0x38;
	[tilespmem:$0x1080] =	vst v63  }
0x123: {  	_ =	swait.ge [sflag:s31], $0x200  }
0x124: {  	[sflag:s31] =	ssyncset.done $0x0  }
0x125: {  	[sflag:s31] =	ssyncadd.s32 $0xFFFFFE00  }
0x126: {  	_ =	swait.ge [sflag:s31], $0x200  }
0x127: {  	[sflag:s31] =	ssyncset.done $0x0  }
0x128: {  	[sflag:s31] =	ssyncadd.s32 $0xFFFFFE00  }
0x129: {  	_ =	swait.ge [sflag:s31], $0x200  }
0x12a: {  	[sflag:s31] =	ssyncset.done $0x0  }
0x12b: {  	[sflag:s31] =	ssyncadd.s32 $0xFFFFFE00  }
0x12c: {  	_ =	swait.ge [sflag:s31], $0x200  }
0x12d: {  	[sflag:s31] =	ssyncset.done $0x0  }
0x12e: {  	[sflag:s31] =	ssyncadd.s32 $0xFFFFFE00  }
0x12f: {  	_ =	sfence.sel $0x180000  }
0x130: {  	[bflag:$0x0] =	sbarrier.arrive $0xFFFF  }
0x131: {  	p0 =	sne.s32 s1, $0x0;
	_ =	strace $0x90000047  }
0x132: {  	s0 =	sadd.s32 @!p0 $0x100000, s0;
	[bflag:$0x2] =	sbarrier.arrive $0xFFFF  }
0x133: {  	[sflag:s0] =	ssyncadd.tile.s32 @!p0 $0x1;
	_ =	shalt  }
.Lfunc_end2:
_tile_overlayer_lowered:
.L_overlay_start_2:
0x134: {  	(tag) =	ssettag $0x2  }
0x135: {  	s0 =	rddreg [dreg:$0x0];
	s2 =	stileid.u32  }
0x136: {  	s1 =	rddreg [dreg:$0x1];
	p0 =	sne.s32 s2, $0x0  }
0x137: {  	s3 =	rddreg [dreg:$0x2];
	[bflag:$0x3] =	sbarrier.arrive $0xFFFF;
	s2 =	simm.s32 @!p0 $0x1C03  }
0x138: {  	[timem:s3], [sflag:s2] =	dma.local @!p0 [hbm:s0], s1  }
0x139: {  	s0 =	simm.s32 @!p0 $0x3  }
0x13a: {  	_ =	swait.ge @!p0 [sflag:s0], s1  }
0x13b: {  	s1 =	ssub.s32 @!p0 $0x0, s1;
	[sflag:s0] =	ssyncset.done @!p0 $0x0  }
0x13c: {  	[sflag:s0] =	ssyncadd.s32 @!p0 s1  }
0x13d: {  	[bflag:$0x3] =	sbarrier.arrive $0xFFFF  }
0x13e: {  	_ =	shalt  }

</sc_bundles>
